<compile_context>
chip_gen: v7x
topology: tpu7x:2x2x1
jax: 0.10.2.dev20260603
libtpu: 0.0.44.dev20260713+nightly
codegen_flags: <defaults>
</compile_context>

<pallas_src>
import functools

import jax
import jax.numpy as jnp
from jax import lax
from jax.experimental import pallas as pl
from jax.experimental.pallas import tpu as pltpu
from jax.experimental.pallas import tpu_sc as plsc



def _argmax_body(h, w, x_ref, o_ref):
    x = x_ref[:, 0]
    m2 = jnp.max(x, axis=1)
    m = jnp.max(m2, axis=1, keepdims=True)[:, :, None]
    fi = (lax.broadcasted_iota(jnp.int32, x.shape, 1) * w
          + lax.broadcasted_iota(jnp.int32, x.shape, 2))
    cand = jnp.where(x == m, fi, h * w)
    c2 = jnp.min(cand, axis=1)
    o_ref[0] = jnp.min(c2, axis=1, keepdims=True)


def _argmax_call(pred_hm, bb, nb, block_off):
    b, c, h, w = pred_hm.shape
    return pl.pallas_call(
        functools.partial(_argmax_body, h, w),
        grid=(nb,),
        in_specs=[pl.BlockSpec((bb, 1, h, w),
                               lambda i: (i + block_off, 0, 0, 0))],
        out_specs=pl.BlockSpec((1, bb, 1), lambda i: (i, 0, 0)),
        out_shape=jax.ShapeDtypeStruct((nb, bb, 1), jnp.int32),
    )(pred_hm)



def _sc_gather_body(n, hw, b_per_w, l2, n_active, sample_off,
                    ind_hbm, ab_hbm, trig_hbm, out_hbm,
                    ind_v, idx_ab, g_ab, g_tr, sem):
    info = plsc.get_sparse_core_info()
    nc = info.num_cores
    wid = lax.axis_index("s") * nc + lax.axis_index("c")

    @pl.when(wid < n_active)
    def _():
        base = wid * b_per_w
        pltpu.sync_copy(ind_hbm.at[pl.ds(base, b_per_w)],
                        ind_v.at[pl.ds(0, b_per_w)])
        lane = lax.broadcasted_iota(jnp.int32, (16,), 0)
        stride = 2 * hw
        for j in range(l2 // 16):
            v = ind_v[pl.ds(j * 16, 16)]
            pos = j * 16 + lane
            valid = pos < b_per_w
            flat = (sample_off + base + pos) * stride + v
            idx_ab[pl.ds(j * 16, 16)] = jnp.where(valid, flat, 0)
            idx_ab[pl.ds(l2 + j * 16, 16)] = jnp.where(valid, flat + hw, 0)
        pltpu.async_copy(ab_hbm.at[idx_ab], g_ab, sem).wait()
        pltpu.async_copy(trig_hbm.at[idx_ab], g_tr, sem).wait()
        pltpu.sync_copy(g_ab.at[pl.ds(0, b_per_w)],
                        out_hbm.at[pl.ds(0 * n + base, b_per_w)])
        pltpu.sync_copy(g_ab.at[pl.ds(l2, b_per_w)],
                        out_hbm.at[pl.ds(1 * n + base, b_per_w)])
        pltpu.sync_copy(g_tr.at[pl.ds(0, b_per_w)],
                        out_hbm.at[pl.ds(2 * n + base, b_per_w)])
        pltpu.sync_copy(g_tr.at[pl.ds(l2, b_per_w)],
                        out_hbm.at[pl.ds(3 * n + base, b_per_w)])


def _sc_gather_call(inds, ab_flat, trig_flat, n, hw, sample_off):
    nw = 32
    b_per_w = None
    for cand in range(8, n + 1, 8):
        if n % cand == 0 and (n // cand) <= nw:
            b_per_w = cand
            break
    n_active = n // b_per_w
    l2 = ((b_per_w + 15) // 16) * 16

    mesh = plsc.VectorSubcoreMesh(core_axis_name="c", subcore_axis_name="s")
    fn = functools.partial(_sc_gather_body, n, hw, b_per_w, l2, n_active,
                           sample_off)
    return pl.kernel(
        fn,
        mesh=mesh,
        out_type=jax.ShapeDtypeStruct((4 * n,), jnp.float32),
        scratch_types=[
            pltpu.VMEM((l2,), jnp.int32),
            pltpu.VMEM((2 * l2,), jnp.int32),
            pltpu.VMEM((2 * l2,), jnp.float32),
            pltpu.VMEM((2 * l2,), jnp.float32),
            pltpu.SemaphoreType.DMA,
        ],
    )(inds, ab_flat, trig_flat)



def _loss_part(ab0, ab1, sin2a, cos2a, xp, yp, xt, yt, wt_raw, ht_raw,
               rt_deg):
    lo, hi = 1e-07, 10000000.0
    wp = jnp.clip(ab0 * 2.0, lo, hi)
    hp = jnp.clip(ab1 * 2.0, lo, hi)
    wt = jnp.clip(wt_raw, lo, hi)
    ht = jnp.clip(ht_raw, lo, hi)

    hyp = jnp.sqrt(sin2a * sin2a + cos2a * cos2a)
    c2 = jnp.where(hyp > 0.0, cos2a / jnp.where(hyp > 0.0, hyp, 1.0), 1.0)
    cp = jnp.sqrt(jnp.clip((1.0 + c2) * 0.5, 0.0, 1.0))
    sp_mag = jnp.sqrt(jnp.clip((1.0 - c2) * 0.5, 0.0, 1.0))
    sp = jnp.where(sin2a >= 0.0, sp_mag, -sp_mag)

    rt = rt_deg * (jnp.pi / 180.0)
    ct = jnp.cos(rt)
    st = jnp.sin(rt)

    ap = 0.5 * wp
    bp = 0.5 * hp
    at = 0.5 * wt
    bt = 0.5 * ht
    aap = ap * ap
    bbp = bp * bp
    aat = at * at
    bbt = bt * bt

    p00 = aap * cp * cp + bbp * sp * sp
    p11 = aap * sp * sp + bbp * cp * cp
    p01 = (aap - bbp) * cp * sp
    t00 = aat * ct * ct + bbt * st * st
    t11 = aat * st * st + bbt * ct * ct
    t01 = (aat - bbt) * ct * st

    tr = p00 * t00 + 2.0 * p01 * t01 + p11 * t11
    det_sqrt = jnp.sqrt(jnp.clip((ap * bp) * (at * bt), 0.0, None))
    whr = (aap + bbp) + (aat + bbt) - 2.0 * jnp.sqrt(
        jnp.clip(tr + 2.0 * det_sqrt, 0.0, None))
    dx = xp - xt
    dy = yp - yt
    dist = jnp.clip(dx * dx + dy * dy + whr, 0.0, None)
    loss = 1.0 - 1.0 / (1.0 + dist)
    return jnp.sum(loss)


def _loss_body(b, sizes, *refs):
    g_refs = refs[:len(sizes)]
    c_ref, t_ref, o_ref = refs[len(sizes):]
    total = 0.0
    off = 0
    for g_ref, n in zip(g_refs, sizes):
        sl = pl.ds(off, n)
        total = total + _loss_part(
            g_ref[pl.ds(0 * n, n)], g_ref[pl.ds(1 * n, n)],
            g_ref[pl.ds(2 * n, n)], g_ref[pl.ds(3 * n, n)],
            c_ref[0, sl], c_ref[1, sl],
            t_ref[0, sl], t_ref[1, sl], t_ref[2, sl], t_ref[3, sl],
            t_ref[4, sl])
        off += n
    o_ref[0, 0] = total * (1.0 / b)


def _loss_call(g_parts, center_t, target_t, b, sizes):
    return pl.pallas_call(
        functools.partial(_loss_body, b, sizes),
        out_specs=pl.BlockSpec(memory_space=pltpu.SMEM),
        out_shape=jax.ShapeDtypeStruct((1, 1), jnp.float32),
    )(*g_parts, center_t, target_t)



def kernel(pred_hm, pred_ab, pred_trig, pred_center, target_ellipse_xywhr):
    b, c, h, w = pred_hm.shape
    hw = h * w
    ab_flat = pred_ab.reshape(b * 2 * hw)
    trig_flat = pred_trig.reshape(b * 2 * hw)

    bb = 250 if b % 250 == 0 else b
    inds = _argmax_call(pred_hm, bb, b // bb, 0).reshape(b)
    g = _sc_gather_call(inds, ab_flat, trig_flat, b, hw, 0)
    loss = _loss_call([g], pred_center.T, target_ellipse_xywhr.T, b, [b])
    return loss[0, 0]

# --- scband reference (transcript-rebuilt; emitter-appended) ---
"""Pipeline reference for scband-gwdloss-81346680586748 (READ-ONLY COPY).

The authoritative reference and input builder live on the scoring server;
editing this copy changes nothing except your own understanding.
"""

import jax, jax.numpy as jnp
import numpy as np


def _xywhr2xyrs(xywhr):
    xy = xywhr[..., :2]
    wh = jnp.clip(xywhr[..., 2:4], 1e-07, 10000000.0)
    r = jnp.deg2rad(xywhr[..., 4])
    cos_r = jnp.cos(r)
    sin_r = jnp.sin(r)
    R = jnp.stack((cos_r, -sin_r, sin_r, cos_r), axis=-1).reshape(-1, 2, 2)
    S = 0.5 * (wh[..., None] * jnp.eye(2, dtype=wh.dtype))
    return xy, R, S


def _gwd_loss(pred, target):
    xy_p, R_p, S_p = _xywhr2xyrs(pred)
    xy_t, R_t, S_t = _xywhr2xyrs(target)
    xy_distance = jnp.sum((xy_p - xy_t) ** 2, axis=-1)
    Sigma_p = jnp.matmul(jnp.matmul(R_p, S_p ** 2), jnp.transpose(R_p, (0, 2, 1)))
    Sigma_t = jnp.matmul(jnp.matmul(R_t, S_t ** 2), jnp.transpose(R_t, (0, 2, 1)))
    _t = jnp.matmul(Sigma_p, Sigma_t)
    _t_tr = jnp.sum(jnp.diagonal(_t, axis1=-2, axis2=-1), axis=-1)
    diag_p = jnp.diagonal(S_p, axis1=-2, axis2=-1)
    diag_t = jnp.diagonal(S_t, axis1=-2, axis2=-1)
    _t_det_sqrt = jnp.sqrt(jnp.clip(jnp.prod(diag_p, axis=-1) * jnp.prod(diag_t, axis=-1), 0.0, None))
    whr_distance = jnp.sum(diag_p ** 2, axis=-1) + jnp.sum(diag_t ** 2, axis=-1) - 2.0 * jnp.sqrt(jnp.clip(_t_tr + 2.0 * _t_det_sqrt, 0.0, None))
    distance = jnp.clip(xy_distance + whr_distance, 0.0, None)
    loss = 1.0 - 1.0 / (1.0 + distance)
    return jnp.mean(loss)


def setup_inputs(seed: int = 0) -> dict:
    key = jax.random.key(seed)
    k1, k2, k3, k4, k5 = jax.random.split(key, 5)
    B, H, W = 1000, 128, 128
    return {
        'pred_hm': jax.random.normal(k1, (B, 1, H, W), dtype=jnp.float32),
        'pred_ab': jax.random.uniform(k2, (B, 2, H, W), dtype=jnp.float32),
        'pred_trig': jax.random.normal(k3, (B, 2, H, W), dtype=jnp.float32),
        'pred_center': jax.random.normal(k4, (B, 2), dtype=jnp.float32),
        'target_ellipse_xywhr': jax.random.uniform(k5, (B, 5), dtype=jnp.float32),
    }


def reference(pred_hm, pred_ab, pred_trig, pred_center, target_ellipse_xywhr):
    B, C, H, W = pred_hm.shape
    scores = jax.nn.sigmoid(pred_hm).reshape(B, C, H * W)
    _, topk_inds = jax.lax.top_k(scores, 1)
    topk_inds = topk_inds % (H * W)
    inds = topk_inds.reshape(B, -1)

    def _transpose_and_gather_feat(feat):
        f = jnp.transpose(feat, (0, 2, 3, 1)).reshape(B, H * W, feat.shape[1])
        idx = jnp.broadcast_to(inds[:, :, None], (B, inds.shape[1], f.shape[2]))
        return jnp.take_along_axis(f, idx, axis=1)

    pred_ab_gathered = _transpose_and_gather_feat(pred_ab)[:, 0, :]
    pred_trig_gathered = _transpose_and_gather_feat(pred_trig)[:, 0, :]
    pred_wh = pred_ab_gathered * 2.0
    sin2A = pred_trig_gathered[:, 0]
    cos2A = pred_trig_gathered[:, 1]
    pred_r = jnp.rad2deg(jnp.arctan2(sin2A, cos2A) / 2.0)
    pred_xywhr = jnp.concatenate([pred_center, pred_wh, pred_r[:, None]], axis=1)
    return _gwd_loss(pred_xywhr, target_ellipse_xywhr)

if __name__ == "__main__":
    import jax
    _d = setup_inputs()
    print(jax.jit(kernel)(*tuple(_d.values())))

</pallas_src>

<mosaic_0001>
#map = affine_map<(d0, d1) -> (0)>
module attributes {stable_mosaic.version = 14 : i64} {
  func.func @_sc_gather_body(%arg0: i32, %arg1: i32, %arg2: memref<1000xi32, #tpu.memory_space<hbm>>, %arg3: memref<32768000xf32, #tpu.memory_space<hbm>>, %arg4: memref<32768000xf32, #tpu.memory_space<hbm>>, %arg5: memref<4000xf32, #tpu.memory_space<hbm>>, %arg6: memref<48xi32, #tpu.memory_space<vmem>>, %arg7: memref<96xi32, #tpu.memory_space<vmem>>, %arg8: memref<96xf32, #tpu.memory_space<vmem>>, %arg9: memref<96xf32, #tpu.memory_space<vmem>>, %arg10: memref<!tpu.dma_semaphore, #tpu.memory_space<semaphore_mem>>) attributes {dimension_semantics = [#tpu.dimension_semantics<core_parallel>, #tpu.dimension_semantics<subcore_parallel>], iteration_bounds = array<i64: 2, 16>, scalar_prefetch = 0 : i64, scratch_operands = 5 : i64, tpu.core_type = #tpu.core_type<sc_vector_subcore>, window_params = [{transform_indices = #map}, {transform_indices = #map}, {transform_indices = #map}, {transform_indices = #map}]} {
    %mul3A = arith.constant 2 : i32
    %mul3A_0 = arith.muli %arg1, %mul3A : i32
    %add3A = arith.addi %mul3A_0, %arg0 : i32
    %lt3A = arith.constant 25 : i32
    %lt3A_1 = arith.cmpi slt, %add3A, %lt3A : i32
    %convert_element_type3A = arith.extui %lt3A_1 : i1 to i32
    %cond3A = arith.constant 0 : i32
    %cond3A_2 = arith.cmpi ne, %convert_element_type3A, %cond3A : i32
    scf.if %cond3A_2 {
      %mul3A_3 = arith.constant 40 : i32
      %mul3A_4 = arith.muli %add3A, %mul3A_3 : i32
      "tpu.region"() ({
        %run_scoped3A = tpu.sem_alloc : memref<!tpu.dma_semaphore, #tpu.memory_space<semaphore_mem>>
        %dma_start3A_116 = arith.constant 0 : i32
        %dma_start3A_117 = tpu.memref_slice %arg6[%dma_start3A_116] : memref<48xi32, #tpu.memory_space<vmem>> -> memref<40xi32, #tpu.memory_space<vmem>>
        %dma_start3A_118 = tpu.memref_slice %arg2[%mul3A_4] : memref<1000xi32, #tpu.memory_space<hbm>> -> memref<40xi32, #tpu.memory_space<hbm>>
        %dma_start3A_119 = arith.constant 0 : i32
        %dma_start3A_120 = tpu.memref_slice %arg6[%dma_start3A_119] : memref<48xi32, #tpu.memory_space<vmem>> -> memref<40xi32, #tpu.memory_space<vmem>>
        %dma_start3A_121 = tpu.memref_slice %arg2[%mul3A_4] : memref<1000xi32, #tpu.memory_space<hbm>> -> memref<40xi32, #tpu.memory_space<hbm>>
        tpu.enqueue_dma source(%dma_start3A_121 : memref<40xi32, #tpu.memory_space<hbm>>) target(%dma_start3A_120 : memref<40xi32, #tpu.memory_space<vmem>>) target_semaphore(%run_scoped3A : memref<!tpu.dma_semaphore, #tpu.memory_space<semaphore_mem>>)
        %dma_wait3A_122 = arith.constant 0 : i32
        %dma_wait3A_123 = tpu.memref_slice %arg6[%dma_wait3A_122] : memref<48xi32, #tpu.memory_space<vmem>> -> memref<40xi32, #tpu.memory_space<vmem>>
        %dma_wait3A_124 = tpu.memref_slice %arg2[%mul3A_4] : memref<1000xi32, #tpu.memory_space<hbm>> -> memref<40xi32, #tpu.memory_space<hbm>>
        %dma_wait3A_125 = arith.constant 0 : i32
        %dma_wait3A_126 = tpu.memref_slice %arg6[%dma_wait3A_125] : memref<48xi32, #tpu.memory_space<vmem>> -> memref<40xi32, #tpu.memory_space<vmem>>
        %dma_wait3A_127 = tpu.memref_slice %arg2[%mul3A_4] : memref<1000xi32, #tpu.memory_space<hbm>> -> memref<40xi32, #tpu.memory_space<hbm>>
        tpu.wait_dma2 semaphore(%run_scoped3A : memref<!tpu.dma_semaphore, #tpu.memory_space<semaphore_mem>>) src(%dma_wait3A_127 : memref<40xi32, #tpu.memory_space<hbm>>) dst(%dma_wait3A_126 : memref<40xi32, #tpu.memory_space<vmem>>)
        tpu.yield
      }) : () -> ()
      %iota3A = tpu.iota {dimensions = array<i32: 0>} : vector<16xi32>
      %get3A = arith.constant 0 : index
      %get3A_5 = tpu.vector_load %arg6[%get3A] {strides = array<i32>} : memref<48xi32, #tpu.memory_space<vmem>>, vector<16xi32>,
      %get3A_6 = vector.shape_cast %get3A_5 : vector<16xi32> to vector<16xi32>
      %add3A_7 = arith.constant 0 : i32
      %add3A_8 = vector.broadcast %add3A_7 : i32 to vector<16xi32>
      %add3A_9 = arith.addi %add3A_8, %iota3A : vector<16xi32>
      %lt3A_10 = arith.constant 40 : i32
      %lt3A_11 = vector.broadcast %lt3A_10 : i32 to vector<16xi32>
      %lt3A_12 = arith.cmpi slt, %add3A_9, %lt3A_11 : vector<16xi32>
      %add3A_13 = arith.constant 0 : i32
      %add3A_14 = arith.addi %add3A_13, %mul3A_4 : i32
      %add3A_15 = vector.broadcast %add3A_14 : i32 to vector<16xi32>
      %add3A_16 = arith.addi %add3A_15, %add3A_9 : vector<16xi32>
      %mul3A_17 = arith.constant 32768 : i32
      %mul3A_18 = vector.broadcast %mul3A_17 : i32 to vector<16xi32>
      %mul3A_19 = arith.muli %add3A_16, %mul3A_18 : vector<16xi32>
      %add3A_20 = arith.addi %mul3A_19, %get3A_6 : vector<16xi32>
      %jit3A = arith.constant 0 : i32
      %broadcast_in_dim3A = vector.broadcast %jit3A : i32 to vector<16xi32>
      %select_n3A = arith.select %lt3A_12, %add3A_20, %broadcast_in_dim3A : vector<16xi1>, vector<16xi32>
      %swap3A = arith.constant 0 : index
      %swap3A_21 = tpu.vector_load %arg7[%swap3A] {strides = array<i32>} : memref<96xi32, #tpu.memory_space<vmem>>, vector<16xi32>,
      %swap3A_22 = vector.shape_cast %swap3A_21 : vector<16xi32> to vector<16xi32>
      %swap3A_23 = vector.shape_cast %select_n3A : vector<16xi32> to vector<16xi32>
      tpu.vector_store %arg7[%swap3A], %swap3A_23 {strides = array<i32>} : memref<96xi32, #tpu.memory_space<vmem>>, vector<16xi32>,
      %add3A_24 = arith.constant 16384 : i32
      %add3A_25 = vector.broadcast %add3A_24 : i32 to vector<16xi32>
      %add3A_26 = arith.addi %add3A_20, %add3A_25 : vector<16xi32>
      %jit3A_27 = arith.constant 0 : i32
      %broadcast_in_dim3A_28 = vector.broadcast %jit3A_27 : i32 to vector<16xi32>
      %select_n3A_29 = arith.select %lt3A_12, %add3A_26, %broadcast_in_dim3A_28 : vector<16xi1>, vector<16xi32>
      %swap3A_30 = arith.constant 48 : index
      %swap3A_31 = tpu.vector_load %arg7[%swap3A_30] {strides = array<i32>} : memref<96xi32, #tpu.memory_space<vmem>>, vector<16xi32>,
      %swap3A_32 = vector.shape_cast %swap3A_31 : vector<16xi32> to vector<16xi32>
      %swap3A_33 = vector.shape_cast %select_n3A_29 : vector<16xi32> to vector<16xi32>
      tpu.vector_store %arg7[%swap3A_30], %swap3A_33 {strides = array<i32>} : memref<96xi32, #tpu.memory_space<vmem>>, vector<16xi32>,
      %get3A_34 = arith.constant 16 : index
      %get3A_35 = tpu.vector_load %arg6[%get3A_34] {strides = array<i32>} : memref<48xi32, #tpu.memory_space<vmem>>, vector<16xi32>,
      %get3A_36 = vector.shape_cast %get3A_35 : vector<16xi32> to vector<16xi32>
      %add3A_37 = arith.constant 16 : i32
      %add3A_38 = vector.broadcast %add3A_37 : i32 to vector<16xi32>
      %add3A_39 = arith.addi %add3A_38, %iota3A : vector<16xi32>
      %lt3A_40 = arith.constant 40 : i32
      %lt3A_41 = vector.broadcast %lt3A_40 : i32 to vector<16xi32>
      %lt3A_42 = arith.cmpi slt, %add3A_39, %lt3A_41 : vector<16xi32>
      %add3A_43 = arith.constant 0 : i32
      %add3A_44 = arith.addi %add3A_43, %mul3A_4 : i32
      %add3A_45 = vector.broadcast %add3A_44 : i32 to vector<16xi32>
      %add3A_46 = arith.addi %add3A_45, %add3A_39 : vector<16xi32>
      %mul3A_47 = arith.constant 32768 : i32
      %mul3A_48 = vector.broadcast %mul3A_47 : i32 to vector<16xi32>
      %mul3A_49 = arith.muli %add3A_46, %mul3A_48 : vector<16xi32>
      %add3A_50 = arith.addi %mul3A_49, %get3A_36 : vector<16xi32>
      %jit3A_51 = arith.constant 0 : i32
      %broadcast_in_dim3A_52 = vector.broadcast %jit3A_51 : i32 to vector<16xi32>
      %select_n3A_53 = arith.select %lt3A_42, %add3A_50, %broadcast_in_dim3A_52 : vector<16xi1>, vector<16xi32>
      %swap3A_54 = arith.constant 16 : index
      %swap3A_55 = tpu.vector_load %arg7[%swap3A_54] {strides = array<i32>} : memref<96xi32, #tpu.memory_space<vmem>>, vector<16xi32>,
      %swap3A_56 = vector.shape_cast %swap3A_55 : vector<16xi32> to vector<16xi32>
      %swap3A_57 = vector.shape_cast %select_n3A_53 : vector<16xi32> to vector<16xi32>
      tpu.vector_store %arg7[%swap3A_54], %swap3A_57 {strides = array<i32>} : memref<96xi32, #tpu.memory_space<vmem>>, vector<16xi32>,
      %add3A_58 = arith.constant 16384 : i32
      %add3A_59 = vector.broadcast %add3A_58 : i32 to vector<16xi32>
      %add3A_60 = arith.addi %add3A_50, %add3A_59 : vector<16xi32>
      %jit3A_61 = arith.constant 0 : i32
      %broadcast_in_dim3A_62 = vector.broadcast %jit3A_61 : i32 to vector<16xi32>
      %select_n3A_63 = arith.select %lt3A_42, %add3A_60, %broadcast_in_dim3A_62 : vector<16xi1>, vector<16xi32>
      %swap3A_64 = arith.constant 64 : index
      %swap3A_65 = tpu.vector_load %arg7[%swap3A_64] {strides = array<i32>} : memref<96xi32, #tpu.memory_space<vmem>>, vector<16xi32>,
      %swap3A_66 = vector.shape_cast %swap3A_65 : vector<16xi32> to vector<16xi32>
      %swap3A_67 = vector.shape_cast %select_n3A_63 : vector<16xi32> to vector<16xi32>
      tpu.vector_store %arg7[%swap3A_64], %swap3A_67 {strides = array<i32>} : memref<96xi32, #tpu.memory_space<vmem>>, vector<16xi32>,
      %get3A_68 = arith.constant 32 : index
      %get3A_69 = tpu.vector_load %arg6[%get3A_68] {strides = array<i32>} : memref<48xi32, #tpu.memory_space<vmem>>, vector<16xi32>,
      %get3A_70 = vector.shape_cast %get3A_69 : vector<16xi32> to vector<16xi32>
      %add3A_71 = arith.constant 32 : i32
      %add3A_72 = vector.broadcast %add3A_71 : i32 to vector<16xi32>
      %add3A_73 = arith.addi %add3A_72, %iota3A : vector<16xi32>
      %lt3A_74 = arith.constant 40 : i32
      %lt3A_75 = vector.broadcast %lt3A_74 : i32 to vector<16xi32>
      %lt3A_76 = arith.cmpi slt, %add3A_73, %lt3A_75 : vector<16xi32>
      %add3A_77 = arith.constant 0 : i32
      %add3A_78 = arith.addi %add3A_77, %mul3A_4 : i32
      %add3A_79 = vector.broadcast %add3A_78 : i32 to vector<16xi32>
      %add3A_80 = arith.addi %add3A_79, %add3A_73 : vector<16xi32>
      %mul3A_81 = arith.constant 32768 : i32
      %mul3A_82 = vector.broadcast %mul3A_81 : i32 to vector<16xi32>
      %mul3A_83 = arith.muli %add3A_80, %mul3A_82 : vector<16xi32>
      %add3A_84 = arith.addi %mul3A_83, %get3A_70 : vector<16xi32>
      %jit3A_85 = arith.constant 0 : i32
      %broadcast_in_dim3A_86 = vector.broadcast %jit3A_85 : i32 to vector<16xi32>
      %select_n3A_87 = arith.select %lt3A_76, %add3A_84, %broadcast_in_dim3A_86 : vector<16xi1>, vector<16xi32>
      %swap3A_88 = arith.constant 32 : index
      %swap3A_89 = tpu.vector_load %arg7[%swap3A_88] {strides = array<i32>} : memref<96xi32, #tpu.memory_space<vmem>>, vector<16xi32>,
      %swap3A_90 = vector.shape_cast %swap3A_89 : vector<16xi32> to vector<16xi32>
      %swap3A_91 = vector.shape_cast %select_n3A_87 : vector<16xi32> to vector<16xi32>
      tpu.vector_store %arg7[%swap3A_88], %swap3A_91 {strides = array<i32>} : memref<96xi32, #tpu.memory_space<vmem>>, vector<16xi32>,
      %add3A_92 = arith.constant 16384 : i32
      %add3A_93 = vector.broadcast %add3A_92 : i32 to vector<16xi32>
      %add3A_94 = arith.addi %add3A_84, %add3A_93 : vector<16xi32>
      %jit3A_95 = arith.constant 0 : i32
      %broadcast_in_dim3A_96 = vector.broadcast %jit3A_95 : i32 to vector<16xi32>
      %select_n3A_97 = arith.select %lt3A_76, %add3A_94, %broadcast_in_dim3A_96 : vector<16xi1>, vector<16xi32>
      %swap3A_98 = arith.constant 80 : index
      %swap3A_99 = tpu.vector_load %arg7[%swap3A_98] {strides = array<i32>} : memref<96xi32, #tpu.memory_space<vmem>>, vector<16xi32>,
      %swap3A_100 = vector.shape_cast %swap3A_99 : vector<16xi32> to vector<16xi32>
      %swap3A_101 = vector.shape_cast %select_n3A_97 : vector<16xi32> to vector<16xi32>
      tpu.vector_store %arg7[%swap3A_98], %swap3A_101 {strides = array<i32>} : memref<96xi32, #tpu.memory_space<vmem>>, vector<16xi32>,
      %dma_start3A = arith.constant 0 : i32
      %dma_start3A_102 = tpu.memref_slice %arg3[%dma_start3A] : memref<32768000xf32, #tpu.memory_space<hbm>> -> memref<32768000xf32, #tpu.memory_space<hbm>>
      tpu.enqueue_indirect_dma source(%dma_start3A_102 : memref<32768000xf32, #tpu.memory_space<hbm>>) target(%arg8 : memref<96xf32, #tpu.memory_space<vmem>>) offsets(%arg7 : memref<96xi32, #tpu.memory_space<vmem>>) semaphore(%arg10 : memref<!tpu.dma_semaphore, #tpu.memory_space<semaphore_mem>>)
      %dma_wait3A = arith.constant 0 : i32
      %dma_wait3A_103 = tpu.memref_slice %arg3[%dma_wait3A] : memref<32768000xf32, #tpu.memory_space<hbm>> -> memref<32768000xf32, #tpu.memory_space<hbm>>
      tpu.wait_indirect_dma semaphore(%arg10 : memref<!tpu.dma_semaphore, #tpu.memory_space<semaphore_mem>>) src(%dma_wait3A_103 : memref<32768000xf32, #tpu.memory_space<hbm>>) dst(%arg8 : memref<96xf32, #tpu.memory_space<vmem>>)
      %dma_start3A_104 = arith.constant 0 : i32
      %dma_start3A_105 = tpu.memref_slice %arg4[%dma_start3A_104] : memref<32768000xf32, #tpu.memory_space<hbm>> -> memref<32768000xf32, #tpu.memory_space<hbm>>
      tpu.enqueue_indirect_dma source(%dma_start3A_105 : memref<32768000xf32, #tpu.memory_space<hbm>>) target(%arg9 : memref<96xf32, #tpu.memory_space<vmem>>) offsets(%arg7 : memref<96xi32, #tpu.memory_space<vmem>>) semaphore(%arg10 : memref<!tpu.dma_semaphore, #tpu.memory_space<semaphore_mem>>)
      %dma_wait3A_106 = arith.constant 0 : i32
      %dma_wait3A_107 = tpu.memref_slice %arg4[%dma_wait3A_106] : memref<32768000xf32, #tpu.memory_space<hbm>> -> memref<32768000xf32, #tpu.memory_space<hbm>>
      tpu.wait_indirect_dma semaphore(%arg10 : memref<!tpu.dma_semaphore, #tpu.memory_space<semaphore_mem>>) src(%dma_wait3A_107 : memref<32768000xf32, #tpu.memory_space<hbm>>) dst(%arg9 : memref<96xf32, #tpu.memory_space<vmem>>)
      %add3A_108 = arith.constant 0 : i32
      %add3A_109 = arith.addi %add3A_108, %mul3A_4 : i32
      "tpu.region"() ({
        %run_scoped3A = tpu.sem_alloc : memref<!tpu.dma_semaphore, #tpu.memory_space<semaphore_mem>>
        %dma_start3A_116 = arith.constant 0 : i32
        %dma_start3A_117 = tpu.memref_slice %arg8[%dma_start3A_116] : memref<96xf32, #tpu.memory_space<vmem>> -> memref<40xf32, #tpu.memory_space<vmem>>
        %dma_start3A_118 = tpu.memref_slice %arg5[%add3A_109] : memref<4000xf32, #tpu.memory_space<hbm>> -> memref<40xf32, #tpu.memory_space<hbm>>
        %dma_start3A_119 = tpu.memref_slice %arg5[%add3A_109] : memref<4000xf32, #tpu.memory_space<hbm>> -> memref<40xf32, #tpu.memory_space<hbm>>
        %dma_start3A_120 = arith.constant 0 : i32
        %dma_start3A_121 = tpu.memref_slice %arg8[%dma_start3A_120] : memref<96xf32, #tpu.memory_space<vmem>> -> memref<40xf32, #tpu.memory_space<vmem>>
        tpu.enqueue_dma source(%dma_start3A_121 : memref<40xf32, #tpu.memory_space<vmem>>) target(%dma_start3A_119 : memref<40xf32, #tpu.memory_space<hbm>>) target_semaphore(%run_scoped3A : memref<!tpu.dma_semaphore, #tpu.memory_space<semaphore_mem>>)
        %dma_wait3A_122 = arith.constant 0 : i32
        %dma_wait3A_123 = tpu.memref_slice %arg8[%dma_wait3A_122] : memref<96xf32, #tpu.memory_space<vmem>> -> memref<40xf32, #tpu.memory_space<vmem>>
        %dma_wait3A_124 = tpu.memref_slice %arg5[%add3A_109] : memref<4000xf32, #tpu.memory_space<hbm>> -> memref<40xf32, #tpu.memory_space<hbm>>
        %dma_wait3A_125 = tpu.memref_slice %arg5[%add3A_109] : memref<4000xf32, #tpu.memory_space<hbm>> -> memref<40xf32, #tpu.memory_space<hbm>>
        %dma_wait3A_126 = arith.constant 0 : i32
        %dma_wait3A_127 = tpu.memref_slice %arg8[%dma_wait3A_126] : memref<96xf32, #tpu.memory_space<vmem>> -> memref<40xf32, #tpu.memory_space<vmem>>
        tpu.wait_dma2 semaphore(%run_scoped3A : memref<!tpu.dma_semaphore, #tpu.memory_space<semaphore_mem>>) src(%dma_wait3A_127 : memref<40xf32, #tpu.memory_space<vmem>>) dst(%dma_wait3A_125 : memref<40xf32, #tpu.memory_space<hbm>>)
        tpu.yield
      }) : () -> ()
      %add3A_110 = arith.constant 1000 : i32
      %add3A_111 = arith.addi %add3A_110, %mul3A_4 : i32
      "tpu.region"() ({
        %run_scoped3A = tpu.sem_alloc : memref<!tpu.dma_semaphore, #tpu.memory_space<semaphore_mem>>
        %dma_start3A_116 = arith.constant 48 : i32
        %dma_start3A_117 = tpu.memref_slice %arg8[%dma_start3A_116] : memref<96xf32, #tpu.memory_space<vmem>> -> memref<40xf32, #tpu.memory_space<vmem>>
        %dma_start3A_118 = tpu.memref_slice %arg5[%add3A_111] : memref<4000xf32, #tpu.memory_space<hbm>> -> memref<40xf32, #tpu.memory_space<hbm>>
        %dma_start3A_119 = tpu.memref_slice %arg5[%add3A_111] : memref<4000xf32, #tpu.memory_space<hbm>> -> memref<40xf32, #tpu.memory_space<hbm>>
        %dma_start3A_120 = arith.constant 48 : i32
        %dma_start3A_121 = tpu.memref_slice %arg8[%dma_start3A_120] : memref<96xf32, #tpu.memory_space<vmem>> -> memref<40xf32, #tpu.memory_space<vmem>>
        tpu.enqueue_dma source(%dma_start3A_121 : memref<40xf32, #tpu.memory_space<vmem>>) target(%dma_start3A_119 : memref<40xf32, #tpu.memory_space<hbm>>) target_semaphore(%run_scoped3A : memref<!tpu.dma_semaphore, #tpu.memory_space<semaphore_mem>>)
        %dma_wait3A_122 = arith.constant 48 : i32
        %dma_wait3A_123 = tpu.memref_slice %arg8[%dma_wait3A_122] : memref<96xf32, #tpu.memory_space<vmem>> -> memref<40xf32, #tpu.memory_space<vmem>>
        %dma_wait3A_124 = tpu.memref_slice %arg5[%add3A_111] : memref<4000xf32, #tpu.memory_space<hbm>> -> memref<40xf32, #tpu.memory_space<hbm>>
        %dma_wait3A_125 = tpu.memref_slice %arg5[%add3A_111] : memref<4000xf32, #tpu.memory_space<hbm>> -> memref<40xf32, #tpu.memory_space<hbm>>
        %dma_wait3A_126 = arith.constant 48 : i32
        %dma_wait3A_127 = tpu.memref_slice %arg8[%dma_wait3A_126] : memref<96xf32, #tpu.memory_space<vmem>> -> memref<40xf32, #tpu.memory_space<vmem>>
        tpu.wait_dma2 semaphore(%run_scoped3A : memref<!tpu.dma_semaphore, #tpu.memory_space<semaphore_mem>>) src(%dma_wait3A_127 : memref<40xf32, #tpu.memory_space<vmem>>) dst(%dma_wait3A_125 : memref<40xf32, #tpu.memory_space<hbm>>)
        tpu.yield
      }) : () -> ()
      %add3A_112 = arith.constant 2000 : i32
      %add3A_113 = arith.addi %add3A_112, %mul3A_4 : i32
      "tpu.region"() ({
        %run_scoped3A = tpu.sem_alloc : memref<!tpu.dma_semaphore, #tpu.memory_space<semaphore_mem>>
        %dma_start3A_116 = arith.constant 0 : i32
        %dma_start3A_117 = tpu.memref_slice %arg9[%dma_start3A_116] : memref<96xf32, #tpu.memory_space<vmem>> -> memref<40xf32, #tpu.memory_space<vmem>>
        %dma_start3A_118 = tpu.memref_slice %arg5[%add3A_113] : memref<4000xf32, #tpu.memory_space<hbm>> -> memref<40xf32, #tpu.memory_space<hbm>>
        %dma_start3A_119 = tpu.memref_slice %arg5[%add3A_113] : memref<4000xf32, #tpu.memory_space<hbm>> -> memref<40xf32, #tpu.memory_space<hbm>>
        %dma_start3A_120 = arith.constant 0 : i32
        %dma_start3A_121 = tpu.memref_slice %arg9[%dma_start3A_120] : memref<96xf32, #tpu.memory_space<vmem>> -> memref<40xf32, #tpu.memory_space<vmem>>
        tpu.enqueue_dma source(%dma_start3A_121 : memref<40xf32, #tpu.memory_space<vmem>>) target(%dma_start3A_119 : memref<40xf32, #tpu.memory_space<hbm>>) target_semaphore(%run_scoped3A : memref<!tpu.dma_semaphore, #tpu.memory_space<semaphore_mem>>)
        %dma_wait3A_122 = arith.constant 0 : i32
        %dma_wait3A_123 = tpu.memref_slice %arg9[%dma_wait3A_122] : memref<96xf32, #tpu.memory_space<vmem>> -> memref<40xf32, #tpu.memory_space<vmem>>
        %dma_wait3A_124 = tpu.memref_slice %arg5[%add3A_113] : memref<4000xf32, #tpu.memory_space<hbm>> -> memref<40xf32, #tpu.memory_space<hbm>>
        %dma_wait3A_125 = tpu.memref_slice %arg5[%add3A_113] : memref<4000xf32, #tpu.memory_space<hbm>> -> memref<40xf32, #tpu.memory_space<hbm>>
        %dma_wait3A_126 = arith.constant 0 : i32
        %dma_wait3A_127 = tpu.memref_slice %arg9[%dma_wait3A_126] : memref<96xf32, #tpu.memory_space<vmem>> -> memref<40xf32, #tpu.memory_space<vmem>>
        tpu.wait_dma2 semaphore(%run_scoped3A : memref<!tpu.dma_semaphore, #tpu.memory_space<semaphore_mem>>) src(%dma_wait3A_127 : memref<40xf32, #tpu.memory_space<vmem>>) dst(%dma_wait3A_125 : memref<40xf32, #tpu.memory_space<hbm>>)
        tpu.yield
      }) : () -> ()
      %add3A_114 = arith.constant 3000 : i32
      %add3A_115 = arith.addi %add3A_114, %mul3A_4 : i32
      "tpu.region"() ({
        %run_scoped3A = tpu.sem_alloc : memref<!tpu.dma_semaphore, #tpu.memory_space<semaphore_mem>>
        %dma_start3A_116 = arith.constant 48 : i32
        %dma_start3A_117 = tpu.memref_slice %arg9[%dma_start3A_116] : memref<96xf32, #tpu.memory_space<vmem>> -> memref<40xf32, #tpu.memory_space<vmem>>
        %dma_start3A_118 = tpu.memref_slice %arg5[%add3A_115] : memref<4000xf32, #tpu.memory_space<hbm>> -> memref<40xf32, #tpu.memory_space<hbm>>
        %dma_start3A_119 = tpu.memref_slice %arg5[%add3A_115] : memref<4000xf32, #tpu.memory_space<hbm>> -> memref<40xf32, #tpu.memory_space<hbm>>
        %dma_start3A_120 = arith.constant 48 : i32
        %dma_start3A_121 = tpu.memref_slice %arg9[%dma_start3A_120] : memref<96xf32, #tpu.memory_space<vmem>> -> memref<40xf32, #tpu.memory_space<vmem>>
        tpu.enqueue_dma source(%dma_start3A_121 : memref<40xf32, #tpu.memory_space<vmem>>) target(%dma_start3A_119 : memref<40xf32, #tpu.memory_space<hbm>>) target_semaphore(%run_scoped3A : memref<!tpu.dma_semaphore, #tpu.memory_space<semaphore_mem>>)
        %dma_wait3A_122 = arith.constant 48 : i32
        %dma_wait3A_123 = tpu.memref_slice %arg9[%dma_wait3A_122] : memref<96xf32, #tpu.memory_space<vmem>> -> memref<40xf32, #tpu.memory_space<vmem>>
        %dma_wait3A_124 = tpu.memref_slice %arg5[%add3A_115] : memref<4000xf32, #tpu.memory_space<hbm>> -> memref<40xf32, #tpu.memory_space<hbm>>
        %dma_wait3A_125 = tpu.memref_slice %arg5[%add3A_115] : memref<4000xf32, #tpu.memory_space<hbm>> -> memref<40xf32, #tpu.memory_space<hbm>>
        %dma_wait3A_126 = arith.constant 48 : i32
        %dma_wait3A_127 = tpu.memref_slice %arg9[%dma_wait3A_126] : memref<96xf32, #tpu.memory_space<vmem>> -> memref<40xf32, #tpu.memory_space<vmem>>
        tpu.wait_dma2 semaphore(%run_scoped3A : memref<!tpu.dma_semaphore, #tpu.memory_space<semaphore_mem>>) src(%dma_wait3A_127 : memref<40xf32, #tpu.memory_space<vmem>>) dst(%dma_wait3A_125 : memref<40xf32, #tpu.memory_space<hbm>>)
        tpu.yield
      }) : () -> ()
    } else {
    }
    return
  }
}

module attributes {stable_mosaic.version = 14 : i64} {
  func.func @_argmax_body(%arg0: i32, %arg1: memref<250x1x128x128xf32, #tpu.memory_space<vmem>>, %arg2: memref<1x250x1xi32, #tpu.memory_space<vmem>>) attributes {dimension_semantics = [#tpu.dimension_semantics<arbitrary>], iteration_bounds = array<i64: 4>, scalar_prefetch = 0 : i64, scratch_operands = 0 : i64, tpu.core_type = #tpu.core_type<tc>, window_params = [{transform_indices = @transform_0, window_bounds = array<i64: 250, 1, 128, 128>}, {transform_indices = @transform_1, window_bounds = array<i64: 1, 250, 1>}]} {
    %get3A = arith.constant 0 : index
    %get3A_0 = arith.constant 0 : index
    %get3A_1 = arith.constant 0 : index
    %get3A_2 = arith.constant 0 : index
    %get3A_3 = vector.load %arg1[%get3A, %get3A_0, %get3A_1, %get3A_2] : memref<250x1x128x128xf32, #tpu.memory_space<vmem>>, vector<250x1x128x128xf32>
    %get3A_4 = vector.shape_cast %get3A_3 : vector<250x1x128x128xf32> to vector<250x128x128xf32>
    %reduce_max3A = arith.constant dense<0xFF800000> : vector<250x128xf32>
    %reduce_max3A_5 = vector.multi_reduction <maximumf>, %get3A_4, %reduce_max3A [1] : vector<250x128x128xf32> to vector<250x128xf32>
    %reduce_max3A_6 = arith.constant dense<0xFF800000> : vector<250xf32>
    %reduce_max3A_7 = vector.multi_reduction <maximumf>, %reduce_max3A_5, %reduce_max3A_6 [1] : vector<250x128xf32> to vector<250xf32>
    %broadcast_in_dim3A = vector.shape_cast %reduce_max3A_7 : vector<250xf32> to vector<250x1xf32>
    %broadcast_in_dim3A_8 = vector.shape_cast %broadcast_in_dim3A : vector<250x1xf32> to vector<250x1x1xf32>
    %iota3A = tpu.iota {dimensions = array<i32: 1>} : vector<250x128x128xi32>
    %mul3A = arith.constant 128 : i32
    %mul3A_9 = vector.broadcast %mul3A : i32 to vector<250x128x128xi32>
    %mul3A_10 = arith.muli %iota3A, %mul3A_9 : vector<250x128x128xi32>
    %iota3A_11 = tpu.iota {dimensions = array<i32: 2>} : vector<250x128x128xi32>
    %add3A = arith.addi %mul3A_10, %iota3A_11 : vector<250x128x128xi32>
    %eq3A = vector.broadcast %broadcast_in_dim3A_8 : vector<250x1x1xf32> to vector<250x128x128xf32>
    %eq3A_12 = arith.cmpf oeq, %get3A_4, %eq3A : vector<250x128x128xf32>
    %jit3A = arith.constant 16384 : i32
    %broadcast_in_dim3A_13 = vector.broadcast %jit3A : i32 to vector<250x128x128xi32>
    %select_n3A = arith.select %eq3A_12, %add3A, %broadcast_in_dim3A_13 : vector<250x128x128xi1>, vector<250x128x128xi32>
    %reduce_min3A = arith.constant dense<2147483647> : vector<250x128xi32>
    %reduce_min3A_14 = vector.multi_reduction <minsi>, %select_n3A, %reduce_min3A [1] : vector<250x128x128xi32> to vector<250x128xi32>
    %reduce_min3A_15 = arith.constant dense<2147483647> : vector<250xi32>
    %reduce_min3A_16 = vector.multi_reduction <minsi>, %reduce_min3A_14, %reduce_min3A_15 [1] : vector<250x128xi32> to vector<250xi32>
    %broadcast_in_dim3A_17 = vector.shape_cast %reduce_min3A_16 : vector<250xi32> to vector<250x1xi32>
    %swap3A = arith.constant 0 : index
    %swap3A_18 = arith.constant 0 : index
    %swap3A_19 = arith.constant 0 : index
    %swap3A_20 = vector.load %arg2[%swap3A, %swap3A_18, %swap3A_19] : memref<1x250x1xi32, #tpu.memory_space<vmem>>, vector<1x250x1xi32>
    %swap3A_21 = vector.shape_cast %swap3A_20 : vector<1x250x1xi32> to vector<250x1xi32>
    %swap3A_22 = vector.shape_cast %broadcast_in_dim3A_17 : vector<250x1xi32> to vector<1x250x1xi32>
    tpu.vector_store %arg2[%swap3A, %swap3A_18, %swap3A_19], %swap3A_22 {strides = array<i32>} : memref<1x250x1xi32, #tpu.memory_space<vmem>>, vector<1x250x1xi32>,
    return
  }
  func.func @transform_0(%arg0: i32) -> (i32, i32, i32, i32) {
    %add3A = arith.constant 0 : i32
    %add3A_0 = arith.addi %arg0, %add3A : i32
    %c0_i32 = arith.constant 0 : i32
    %c0_i32_1 = arith.constant 0 : i32
    %c0_i32_2 = arith.constant 0 : i32
    %c0_i32_3 = arith.constant 0 : i32
    return %add3A_0, %c0_i32, %c0_i32_1, %c0_i32_2 : i32, i32, i32, i32
  }
  func.func @transform_1(%arg0: i32) -> (i32, i32, i32) {
    %c0_i32 = arith.constant 0 : i32
    %c0_i32_0 = arith.constant 0 : i32
    %c0_i32_1 = arith.constant 0 : i32
    return %arg0, %c0_i32, %c0_i32_0 : i32, i32, i32
  }
}

module attributes {stable_mosaic.version = 14 : i64} {
  func.func @_loss_body(%arg0: memref<4000xf32, #tpu.memory_space<vmem>>, %arg1: memref<2x1000xf32, #tpu.memory_space<vmem>>, %arg2: memref<5x1000xf32, #tpu.memory_space<vmem>>, %arg3: memref<1x1xf32, #tpu.memory_space<smem>>) attributes {dimension_semantics = [], scalar_prefetch = 0 : i64, scratch_operands = 0 : i64, tpu.core_type = #tpu.core_type<tc>} {
    %get3A = arith.constant 0 : index
    %get3A_0 = vector.load %arg0[%get3A] : memref<4000xf32, #tpu.memory_space<vmem>>, vector<1000xf32>
    %get3A_1 = arith.constant 1000 : index
    %get3A_2 = vector.load %arg0[%get3A_1] : memref<4000xf32, #tpu.memory_space<vmem>>, vector<1000xf32>
    %get3A_3 = arith.constant 2000 : index
    %get3A_4 = vector.load %arg0[%get3A_3] : memref<4000xf32, #tpu.memory_space<vmem>>, vector<1000xf32>
    %get3A_5 = arith.constant 3000 : index
    %get3A_6 = vector.load %arg0[%get3A_5] : memref<4000xf32, #tpu.memory_space<vmem>>, vector<1000xf32>
    %get3A_7 = arith.constant 0 : index
    %get3A_8 = arith.constant 0 : index
    %get3A_9 = vector.load %arg1[%get3A_7, %get3A_8] : memref<2x1000xf32, #tpu.memory_space<vmem>>, vector<1x1000xf32>
    %get3A_10 = vector.shape_cast %get3A_9 : vector<1x1000xf32> to vector<1000xf32>
    %get3A_11 = arith.constant 1 : index
    %get3A_12 = arith.constant 0 : index
    %get3A_13 = vector.load %arg1[%get3A_11, %get3A_12] : memref<2x1000xf32, #tpu.memory_space<vmem>>, vector<1x1000xf32>
    %get3A_14 = vector.shape_cast %get3A_13 : vector<1x1000xf32> to vector<1000xf32>
    %get3A_15 = arith.constant 0 : index
    %get3A_16 = arith.constant 0 : index
    %get3A_17 = vector.load %arg2[%get3A_15, %get3A_16] : memref<5x1000xf32, #tpu.memory_space<vmem>>, vector<1x1000xf32>
    %get3A_18 = vector.shape_cast %get3A_17 : vector<1x1000xf32> to vector<1000xf32>
    %get3A_19 = arith.constant 1 : index
    %get3A_20 = arith.constant 0 : index
    %get3A_21 = vector.load %arg2[%get3A_19, %get3A_20] : memref<5x1000xf32, #tpu.memory_space<vmem>>, vector<1x1000xf32>
    %get3A_22 = vector.shape_cast %get3A_21 : vector<1x1000xf32> to vector<1000xf32>
    %get3A_23 = arith.constant 2 : index
    %get3A_24 = arith.constant 0 : index
    %get3A_25 = vector.load %arg2[%get3A_23, %get3A_24] : memref<5x1000xf32, #tpu.memory_space<vmem>>, vector<1x1000xf32>
    %get3A_26 = vector.shape_cast %get3A_25 : vector<1x1000xf32> to vector<1000xf32>
    %get3A_27 = arith.constant 3 : index
    %get3A_28 = arith.constant 0 : index
    %get3A_29 = vector.load %arg2[%get3A_27, %get3A_28] : memref<5x1000xf32, #tpu.memory_space<vmem>>, vector<1x1000xf32>
    %get3A_30 = vector.shape_cast %get3A_29 : vector<1x1000xf32> to vector<1000xf32>
    %get3A_31 = arith.constant 4 : index
    %get3A_32 = arith.constant 0 : index
    %get3A_33 = vector.load %arg2[%get3A_31, %get3A_32] : memref<5x1000xf32, #tpu.memory_space<vmem>>, vector<1x1000xf32>
    %get3A_34 = vector.shape_cast %get3A_33 : vector<1x1000xf32> to vector<1000xf32>
    %mul3A = arith.constant 2.000000e+00 : f32
    %mul3A_35 = vector.broadcast %mul3A : f32 to vector<1000xf32>
    %mul3A_36 = arith.mulf %get3A_0, %mul3A_35 : vector<1000xf32>
    %jit3A = arith.constant 1.000000e-07 : f32
    %jit3A_37 = arith.constant 1.000000e+07 : f32
    %max3A = vector.broadcast %jit3A : f32 to vector<1000xf32>
    %max3A_38 = arith.maximumf %max3A, %mul3A_36 : vector<1000xf32>
    %min3A = vector.broadcast %jit3A_37 : f32 to vector<1000xf32>
    %min3A_39 = arith.minimumf %min3A, %max3A_38 : vector<1000xf32>
    %mul3A_40 = arith.constant 2.000000e+00 : f32
    %mul3A_41 = vector.broadcast %mul3A_40 : f32 to vector<1000xf32>
    %mul3A_42 = arith.mulf %get3A_2, %mul3A_41 : vector<1000xf32>
    %jit3A_43 = arith.constant 1.000000e-07 : f32
    %jit3A_44 = arith.constant 1.000000e+07 : f32
    %max3A_45 = vector.broadcast %jit3A_43 : f32 to vector<1000xf32>
    %max3A_46 = arith.maximumf %max3A_45, %mul3A_42 : vector<1000xf32>
    %min3A_47 = vector.broadcast %jit3A_44 : f32 to vector<1000xf32>
    %min3A_48 = arith.minimumf %min3A_47, %max3A_46 : vector<1000xf32>
    %jit3A_49 = arith.constant 1.000000e-07 : f32
    %jit3A_50 = arith.constant 1.000000e+07 : f32
    %max3A_51 = vector.broadcast %jit3A_49 : f32 to vector<1000xf32>
    %max3A_52 = arith.maximumf %max3A_51, %get3A_26 : vector<1000xf32>
    %min3A_53 = vector.broadcast %jit3A_50 : f32 to vector<1000xf32>
    %min3A_54 = arith.minimumf %min3A_53, %max3A_52 : vector<1000xf32>
    %jit3A_55 = arith.constant 1.000000e-07 : f32
    %jit3A_56 = arith.constant 1.000000e+07 : f32
    %max3A_57 = vector.broadcast %jit3A_55 : f32 to vector<1000xf32>
    %max3A_58 = arith.maximumf %max3A_57, %get3A_30 : vector<1000xf32>
    %min3A_59 = vector.broadcast %jit3A_56 : f32 to vector<1000xf32>
    %min3A_60 = arith.minimumf %min3A_59, %max3A_58 : vector<1000xf32>
    %mul3A_61 = arith.mulf %get3A_4, %get3A_4 : vector<1000xf32>
    %mul3A_62 = arith.mulf %get3A_6, %get3A_6 : vector<1000xf32>
    %add3A = arith.addf %mul3A_61, %mul3A_62 : vector<1000xf32>
    %sqrt3A = math.sqrt %add3A : vector<1000xf32>
    %gt3A = arith.constant 0.000000e+00 : f32
    %gt3A_63 = vector.broadcast %gt3A : f32 to vector<1000xf32>
    %gt3A_64 = arith.cmpf ogt, %sqrt3A, %gt3A_63 : vector<1000xf32>
    %gt3A_65 = arith.constant 0.000000e+00 : f32
    %gt3A_66 = vector.broadcast %gt3A_65 : f32 to vector<1000xf32>
    %gt3A_67 = arith.cmpf ogt, %sqrt3A, %gt3A_66 : vector<1000xf32>
    %jit3A_68 = arith.constant 1.000000e+00 : f32
    %broadcast_in_dim3A = vector.broadcast %jit3A_68 : f32 to vector<1000xf32>
    %select_n3A = arith.select %gt3A_67, %sqrt3A, %broadcast_in_dim3A : vector<1000xi1>, vector<1000xf32>
    %div3A = arith.divf %get3A_6, %select_n3A : vector<1000xf32>
    %jit3A_69 = arith.constant 1.000000e+00 : f32
    %broadcast_in_dim3A_70 = vector.broadcast %jit3A_69 : f32 to vector<1000xf32>
    %select_n3A_71 = arith.select %gt3A_64, %div3A, %broadcast_in_dim3A_70 : vector<1000xi1>, vector<1000xf32>
    %add3A_72 = arith.constant 1.000000e+00 : f32
    %add3A_73 = vector.broadcast %add3A_72 : f32 to vector<1000xf32>
    %add3A_74 = arith.addf %add3A_73, %select_n3A_71 : vector<1000xf32>
    %mul3A_75 = arith.constant 5.000000e-01 : f32
    %mul3A_76 = vector.broadcast %mul3A_75 : f32 to vector<1000xf32>
    %mul3A_77 = arith.mulf %add3A_74, %mul3A_76 : vector<1000xf32>
    %jit3A_78 = arith.constant 0.000000e+00 : f32
    %jit3A_79 = arith.constant 1.000000e+00 : f32
    %max3A_80 = vector.broadcast %jit3A_78 : f32 to vector<1000xf32>
    %max3A_81 = arith.maximumf %max3A_80, %mul3A_77 : vector<1000xf32>
    %min3A_82 = vector.broadcast %jit3A_79 : f32 to vector<1000xf32>
    %min3A_83 = arith.minimumf %min3A_82, %max3A_81 : vector<1000xf32>
    %sqrt3A_84 = math.sqrt %min3A_83 : vector<1000xf32>
    %sub3A = arith.constant 1.000000e+00 : f32
    %sub3A_85 = vector.broadcast %sub3A : f32 to vector<1000xf32>
    %sub3A_86 = arith.subf %sub3A_85, %select_n3A_71 : vector<1000xf32>
    %mul3A_87 = arith.constant 5.000000e-01 : f32
    %mul3A_88 = vector.broadcast %mul3A_87 : f32 to vector<1000xf32>
    %mul3A_89 = arith.mulf %sub3A_86, %mul3A_88 : vector<1000xf32>
    %jit3A_90 = arith.constant 0.000000e+00 : f32
    %jit3A_91 = arith.constant 1.000000e+00 : f32
    %max3A_92 = vector.broadcast %jit3A_90 : f32 to vector<1000xf32>
    %max3A_93 = arith.maximumf %max3A_92, %mul3A_89 : vector<1000xf32>
    %min3A_94 = vector.broadcast %jit3A_91 : f32 to vector<1000xf32>
    %min3A_95 = arith.minimumf %min3A_94, %max3A_93 : vector<1000xf32>
    %sqrt3A_96 = math.sqrt %min3A_95 : vector<1000xf32>
    %ge3A = arith.constant 0.000000e+00 : f32
    %ge3A_97 = vector.broadcast %ge3A : f32 to vector<1000xf32>
    %ge3A_98 = arith.cmpf oge, %get3A_4, %ge3A_97 : vector<1000xf32>
    %neg3A = arith.constant 0.000000e+00 : f32
    %neg3A_99 = vector.broadcast %neg3A : f32 to vector<1000xf32>
    %neg3A_100 = arith.subf %neg3A_99, %sqrt3A_96 : vector<1000xf32>
    %select_n3A_101 = arith.select %ge3A_98, %sqrt3A_96, %neg3A_100 : vector<1000xi1>, vector<1000xf32>
    %mul3A_102 = arith.constant 0.0174532924 : f32
    %mul3A_103 = vector.broadcast %mul3A_102 : f32 to vector<1000xf32>
    %mul3A_104 = arith.mulf %get3A_34, %mul3A_103 : vector<1000xf32>
    %cos3A = math.cos %mul3A_104 : vector<1000xf32>
    %sin3A = math.sin %mul3A_104 : vector<1000xf32>
    %mul3A_105 = arith.constant 5.000000e-01 : f32
    %mul3A_106 = vector.broadcast %mul3A_105 : f32 to vector<1000xf32>
    %mul3A_107 = arith.mulf %mul3A_106, %min3A_39 : vector<1000xf32>
    %mul3A_108 = arith.constant 5.000000e-01 : f32
    %mul3A_109 = vector.broadcast %mul3A_108 : f32 to vector<1000xf32>
    %mul3A_110 = arith.mulf %mul3A_109, %min3A_48 : vector<1000xf32>
    %mul3A_111 = arith.constant 5.000000e-01 : f32
    %mul3A_112 = vector.broadcast %mul3A_111 : f32 to vector<1000xf32>
    %mul3A_113 = arith.mulf %mul3A_112, %min3A_54 : vector<1000xf32>
    %mul3A_114 = arith.constant 5.000000e-01 : f32
    %mul3A_115 = vector.broadcast %mul3A_114 : f32 to vector<1000xf32>
    %mul3A_116 = arith.mulf %mul3A_115, %min3A_60 : vector<1000xf32>
    %mul3A_117 = arith.mulf %mul3A_107, %mul3A_107 : vector<1000xf32>
    %mul3A_118 = arith.mulf %mul3A_110, %mul3A_110 : vector<1000xf32>
    %mul3A_119 = arith.mulf %mul3A_113, %mul3A_113 : vector<1000xf32>
    %mul3A_120 = arith.mulf %mul3A_116, %mul3A_116 : vector<1000xf32>
    %mul3A_121 = arith.mulf %mul3A_117, %sqrt3A_84 : vector<1000xf32>
    %mul3A_122 = arith.mulf %mul3A_121, %sqrt3A_84 : vector<1000xf32>
    %mul3A_123 = arith.mulf %mul3A_118, %select_n3A_101 : vector<1000xf32>
    %mul3A_124 = arith.mulf %mul3A_123, %select_n3A_101 : vector<1000xf32>
    %add3A_125 = arith.addf %mul3A_122, %mul3A_124 : vector<1000xf32>
    %mul3A_126 = arith.mulf %mul3A_117, %select_n3A_101 : vector<1000xf32>
    %mul3A_127 = arith.mulf %mul3A_126, %select_n3A_101 : vector<1000xf32>
    %mul3A_128 = arith.mulf %mul3A_118, %sqrt3A_84 : vector<1000xf32>
    %mul3A_129 = arith.mulf %mul3A_128, %sqrt3A_84 : vector<1000xf32>
    %add3A_130 = arith.addf %mul3A_127, %mul3A_129 : vector<1000xf32>
    %sub3A_131 = arith.subf %mul3A_117, %mul3A_118 : vector<1000xf32>
    %mul3A_132 = arith.mulf %sub3A_131, %sqrt3A_84 : vector<1000xf32>
    %mul3A_133 = arith.mulf %mul3A_132, %select_n3A_101 : vector<1000xf32>
    %mul3A_134 = arith.mulf %mul3A_119, %cos3A : vector<1000xf32>
    %mul3A_135 = arith.mulf %mul3A_134, %cos3A : vector<1000xf32>
    %mul3A_136 = arith.mulf %mul3A_120, %sin3A : vector<1000xf32>
    %mul3A_137 = arith.mulf %mul3A_136, %sin3A : vector<1000xf32>
    %add3A_138 = arith.addf %mul3A_135, %mul3A_137 : vector<1000xf32>
    %mul3A_139 = arith.mulf %mul3A_119, %sin3A : vector<1000xf32>
    %mul3A_140 = arith.mulf %mul3A_139, %sin3A : vector<1000xf32>
    %mul3A_141 = arith.mulf %mul3A_120, %cos3A : vector<1000xf32>
    %mul3A_142 = arith.mulf %mul3A_141, %cos3A : vector<1000xf32>
    %add3A_143 = arith.addf %mul3A_140, %mul3A_142 : vector<1000xf32>
    %sub3A_144 = arith.subf %mul3A_119, %mul3A_120 : vector<1000xf32>
    %mul3A_145 = arith.mulf %sub3A_144, %cos3A : vector<1000xf32>
    %mul3A_146 = arith.mulf %mul3A_145, %sin3A : vector<1000xf32>
    %mul3A_147 = arith.mulf %add3A_125, %add3A_138 : vector<1000xf32>
    %mul3A_148 = arith.constant 2.000000e+00 : f32
    %mul3A_149 = vector.broadcast %mul3A_148 : f32 to vector<1000xf32>
    %mul3A_150 = arith.mulf %mul3A_149, %mul3A_133 : vector<1000xf32>
    %mul3A_151 = arith.mulf %mul3A_150, %mul3A_146 : vector<1000xf32>
    %add3A_152 = arith.addf %mul3A_147, %mul3A_151 : vector<1000xf32>
    %mul3A_153 = arith.mulf %add3A_130, %add3A_143 : vector<1000xf32>
    %add3A_154 = arith.addf %add3A_152, %mul3A_153 : vector<1000xf32>
    %mul3A_155 = arith.mulf %mul3A_107, %mul3A_110 : vector<1000xf32>
    %mul3A_156 = arith.mulf %mul3A_113, %mul3A_116 : vector<1000xf32>
    %mul3A_157 = arith.mulf %mul3A_155, %mul3A_156 : vector<1000xf32>
    %jit3A_158 = arith.constant 0.000000e+00 : f32
    %max3A_159 = vector.broadcast %jit3A_158 : f32 to vector<1000xf32>
    %max3A_160 = arith.maximumf %max3A_159, %mul3A_157 : vector<1000xf32>
    %sqrt3A_161 = math.sqrt %max3A_160 : vector<1000xf32>
    %add3A_162 = arith.addf %mul3A_117, %mul3A_118 : vector<1000xf32>
    %add3A_163 = arith.addf %mul3A_119, %mul3A_120 : vector<1000xf32>
    %add3A_164 = arith.addf %add3A_162, %add3A_163 : vector<1000xf32>
    %mul3A_165 = arith.constant 2.000000e+00 : f32
    %mul3A_166 = vector.broadcast %mul3A_165 : f32 to vector<1000xf32>
    %mul3A_167 = arith.mulf %mul3A_166, %sqrt3A_161 : vector<1000xf32>
    %add3A_168 = arith.addf %add3A_154, %mul3A_167 : vector<1000xf32>
    %jit3A_169 = arith.constant 0.000000e+00 : f32
    %max3A_170 = vector.broadcast %jit3A_169 : f32 to vector<1000xf32>
    %max3A_171 = arith.maximumf %max3A_170, %add3A_168 : vector<1000xf32>
    %sqrt3A_172 = math.sqrt %max3A_171 : vector<1000xf32>
    %mul3A_173 = arith.constant 2.000000e+00 : f32
    %mul3A_174 = vector.broadcast %mul3A_173 : f32 to vector<1000xf32>
    %mul3A_175 = arith.mulf %mul3A_174, %sqrt3A_172 : vector<1000xf32>
    %sub3A_176 = arith.subf %add3A_164, %mul3A_175 : vector<1000xf32>
    %sub3A_177 = arith.subf %get3A_10, %get3A_18 : vector<1000xf32>
    %sub3A_178 = arith.subf %get3A_14, %get3A_22 : vector<1000xf32>
    %mul3A_179 = arith.mulf %sub3A_177, %sub3A_177 : vector<1000xf32>
    %mul3A_180 = arith.mulf %sub3A_178, %sub3A_178 : vector<1000xf32>
    %add3A_181 = arith.addf %mul3A_179, %mul3A_180 : vector<1000xf32>
    %add3A_182 = arith.addf %add3A_181, %sub3A_176 : vector<1000xf32>
    %jit3A_183 = arith.constant 0.000000e+00 : f32
    %max3A_184 = vector.broadcast %jit3A_183 : f32 to vector<1000xf32>
    %max3A_185 = arith.maximumf %max3A_184, %add3A_182 : vector<1000xf32>
    %add3A_186 = arith.constant 1.000000e+00 : f32
    %add3A_187 = vector.broadcast %add3A_186 : f32 to vector<1000xf32>
    %add3A_188 = arith.addf %add3A_187, %max3A_185 : vector<1000xf32>
    %div3A_189 = arith.constant 1.000000e+00 : f32
    %div3A_190 = vector.broadcast %div3A_189 : f32 to vector<1000xf32>
    %div3A_191 = arith.divf %div3A_190, %add3A_188 : vector<1000xf32>
    %sub3A_192 = arith.constant 1.000000e+00 : f32
    %sub3A_193 = vector.broadcast %sub3A_192 : f32 to vector<1000xf32>
    %sub3A_194 = arith.subf %sub3A_193, %div3A_191 : vector<1000xf32>
    %reduce_sum3A = vector.shape_cast %sub3A_194 : vector<1000xf32> to vector<1x1000xf32>
    %reduce_sum3A_195 = arith.constant dense<0.000000e+00> : vector<1xf32>
    %reduce_sum3A_196 = vector.multi_reduction <add>, %reduce_sum3A, %reduce_sum3A_195 [1] : vector<1x1000xf32> to vector<1xf32>
    %reduce_sum3A_197 = vector.shape_cast %reduce_sum3A_196 : vector<1xf32> to vector<1x1xf32>
    %reduce_sum3A_198 = vector.extract %reduce_sum3A_197[0, 0] : f32 from vector<1x1xf32>
    %add3A_199 = arith.constant 0.000000e+00 : f32
    %add3A_200 = arith.addf %add3A_199, %reduce_sum3A_198 : f32
    %mul3A_201 = arith.constant 1.000000e-03 : f32
    %mul3A_202 = arith.mulf %add3A_200, %mul3A_201 : f32
    %swap3A = arith.constant 0 : index
    %swap3A_203 = arith.constant 0 : index
    %swap3A_204 = memref.load %arg3[%swap3A, %swap3A_203] : memref<1x1xf32, #tpu.memory_space<smem>>
    memref.store %mul3A_202, %arg3[%swap3A, %swap3A_203] : memref<1x1xf32, #tpu.memory_space<smem>>
    return
  }
}

</mosaic_0001>

<sc_bundles>
// kernel: kernel.5.cloned.1.call-start
scs
__scs_entry_jumppad:
0x0: {  	(pc) =	sbr.rel $0x88, $3  }
0x1: {  	(tag) =	ssettag $0x0;
	lr =	simm.s32 $0x1  }
0x2: {  	[smem:$0x3F9C] =	sst lr;
	_ =	strace $0xD0000000  }
0x3: {  	_ = 	snop  }
0x4: {  	_ = 	snop  }
0x5: {  	_ = 	snop  }
0x6: {  	_ = 	snop  }
0x7: {  	_ = 	snop  }
__scs_overlays_trampoline_lowered:
0x8: {  	[smem:$0x3FAB] =	sst s0  }
0x9: {  	[smem:$0x3FAC] =	sst s1  }
0xa: {  	[smem:$0x3FAD] =	sst s2  }
0xb: {  	[smem:$0x3FAE] =	sst s3  }
0xc: {  	[smem:$0x3FAF] =	sst s4  }
0xd: {  	[smem:$0x3FB0] =	sst s5  }
0xe: {  	[smem:$0x3FB1] =	sst s6  }
0xf: {  	[smem:$0x3FB2] =	sst s7  }
0x10: {  	[smem:$0x3FB3] =	sst s8  }
0x11: {  	[smem:$0x3FB4] =	sst s9;
	s0 =	simm.s32 @!p0 $0x0  }
0x12: {  	s1 =	sld [smem:$0x3F9A];
	s0 =	simm.s32 @p0 $0x1  }
0x13: {  	[smem:$0x3FB5] =	sst s0;
	s0 =	simm.s32 @!p1 $0x0  }
0x14: {  	s2 =	sld [smem:$0x3F99];
	s0 =	simm.s32 @p1 $0x1  }
0x15: {  	[smem:$0x3FB6] =	sst s0;
	s0 =	simm.s32 @!p2 $0x0  }
0x16: {  	s3 =	sld [smem:$0x3FDB];
	s0 =	simm.s32 @p2 $0x1  }
0x17: {  	s4 =	simm.s32 $0x1BF5;
	[smem:$0x3FB8] =	sst s0  }
0x18: {  	s0 =	sld [smem:$0x3F9B];
	_ =	swait.ge [sflag:s4], $0x0  }
0x19: {  	s7 =	sld [smem:$0x3F9C]  }
0x1a: {  	s8 =	sadd.s32 $0xFFFFE003, lr  }
0x1b: {  	s9 =	sadd.s32 $0xFFFFFEF7, lr;
	s5 =	simm.s32 $0xFFFFFFFF;
	p2 =	slt.u32 s8, $0xFFFFF086  }
0x1c: {  	p1 =	slt.u32 s9, $0xF7A;
	s5 =	simm.s32 @!p2 $0x0  }
0x1d: {  	s5 =	simm.s32 @p1 $0x1;
	p0 =	seq.s32 s7, s2  }
0x1e: {  	s7 =	smul.u32 @!p0 $0xF7A, s2;
	p2 =	seq.s32 @!p0 s5, $0x0  }
0x1f: {  	s9 =	smul.u32 $0xF7A, s1;
	s8 =	simm.s32 @!p0 $0x1BF5;
	p2 =	por !p2, p0  }
0x20: {  	[sflag:s8] =	ssyncset.s32 @!p0 $0xFFFFF086;
	s6 =	sadd.s32 @!p0 s3, s7;
	s7 =	simm.s32 @!p0 $0x108  }
0x21: {  	s3 =	sadd.s32 s3, s9;
	s6 =	sadd.s32 @!p0 $0x88, s6;
	s7 =	simm.s32 @p2 $0x1082  }
0x22: {  	[simem:s7], [sflag:s8] =	dma.local @!p0 [hbm:s6], $0xF7A  }
0x23: {  	s9 =	sor.u32 $0xD0000000, s2;
	s6 =	simm.s32 $0x108;
	_ =	swait.ge @!p0 [sflag:s8], $0x0  }
0x24: {  	s3 =	sadd.s32 $0x88, s3;
	s6 =	simm.s32 @!p1 $0x1082;
	[sflag:s4] =	ssyncset.s32 $0xFFFFF086  }
0x25: {  	[simem:s6], [sflag:s4] =	dma.local [hbm:s3], $0xF7A  }
0x26: {  	[smem:$0x3F9C] =	sst s1;
	(tag) =	ssettag s2;
	_ =	strace s9  }
0x27: {  	s1 =	sld [smem:$0x3FAC]  }
0x28: {  	s2 =	sld [smem:$0x3FAD]  }
0x29: {  	s4 =	sld [smem:$0x3FAF]  }
0x2a: {  	p0 =	seq.s32 s5, $0x0;
	s5 =	sld [smem:$0x3FB0]  }
0x2b: {  	s6 =	sld [smem:$0x3FB1]  }
0x2c: {  	s7 =	sld [smem:$0x3FB2]  }
0x2d: {  	s3 =	simm.s32 $0x108;
	s8 =	sld [smem:$0x3FB3]  }
0x2e: {  	s3 =	simm.s32 @!p0 $0x1082;
	s9 =	sld [smem:$0x3FB4]  }
0x2f: {  	lr =	sadd.s32 s0, s3;
	s0 =	sld [smem:$0x3FAB]  }
0x30: {  	s3 =	sld [smem:$0x3FAE]  }
0x31: {  	[smem:$0x3FB7] =	sst s10  }
0x32: {  	s10 =	sld [smem:$0x3FB5];
	_ =	sdelay $0x3  }
0x33: {  	p0 =	seq.s32 s10, $0x1;
	s10 =	sld [smem:$0x3FB7];
	_ =	sdelay $0x3  }
0x34: {  	[smem:$0x3FB7] =	sst s10  }
0x35: {  	s10 =	sld [smem:$0x3FB6];
	_ =	sdelay $0x3  }
0x36: {  	p1 =	seq.s32 s10, $0x1;
	s10 =	sld [smem:$0x3FB7];
	_ =	sdelay $0x3  }
0x37: {  	[smem:$0x3FB7] =	sst s10  }
0x38: {  	s10 =	sld [smem:$0x3FB8]  }
0x39: {  	_ = 	snop;
	(pc) =	sbr.ind lr, $3  }
0x3a: {  	_ = 	snop  }
0x3b: {  	_ = 	snop  }
0x3c: {  	p2 =	seq.s32 s10, $0x1;
	s10 =	sld [smem:$0x3FB7]  }
0x3d: {  	_ =	shalt  }
0x3e: {  	_ =	shalt  }
0x3f: {  	_ =	shalt  }
0x40: {  	_ =	shalt  }
0x41: {  	_ =	shalt  }
0x42: {  	_ =	shalt  }
0x43: {  	_ =	shalt  }
0x44: {  	_ =	shalt  }
0x45: {  	_ =	shalt  }
0x46: {  	_ =	shalt  }
0x47: {  	_ =	shalt  }
0x48: {  	_ =	shalt  }
0x49: {  	_ =	shalt  }
0x4a: {  	_ =	shalt  }
0x4b: {  	_ =	shalt  }
0x4c: {  	_ =	shalt  }
0x4d: {  	_ =	shalt  }
0x4e: {  	_ =	shalt  }
0x4f: {  	_ =	shalt  }
0x50: {  	_ =	shalt  }
0x51: {  	_ =	shalt  }
0x52: {  	_ =	shalt  }
0x53: {  	_ =	shalt  }
0x54: {  	_ =	shalt  }
0x55: {  	_ =	shalt  }
0x56: {  	_ =	shalt  }
0x57: {  	_ =	shalt  }
0x58: {  	_ =	shalt  }
0x59: {  	_ =	shalt  }
0x5a: {  	_ =	shalt  }
0x5b: {  	_ =	shalt  }
0x5c: {  	_ =	shalt  }
0x5d: {  	_ =	shalt  }
0x5e: {  	_ =	shalt  }
0x5f: {  	_ =	shalt  }
0x60: {  	_ =	shalt  }
0x61: {  	_ =	shalt  }
0x62: {  	_ =	shalt  }
0x63: {  	_ =	shalt  }
0x64: {  	_ =	shalt  }
0x65: {  	_ =	shalt  }
0x66: {  	_ =	shalt  }
0x67: {  	_ =	shalt  }
0x68: {  	_ =	shalt  }
0x69: {  	_ =	shalt  }
0x6a: {  	_ =	shalt  }
0x6b: {  	_ =	shalt  }
0x6c: {  	_ =	shalt  }
0x6d: {  	_ =	shalt  }
0x6e: {  	_ =	shalt  }
0x6f: {  	_ =	shalt  }
0x70: {  	_ =	shalt  }
0x71: {  	_ =	shalt  }
0x72: {  	_ =	shalt  }
0x73: {  	_ =	shalt  }
0x74: {  	_ =	shalt  }
0x75: {  	_ =	shalt  }
0x76: {  	_ =	shalt  }
0x77: {  	_ =	shalt  }
0x78: {  	_ =	shalt  }
0x79: {  	_ =	shalt  }
0x7a: {  	_ =	shalt  }
0x7b: {  	_ =	shalt  }
0x7c: {  	_ =	shalt  }
0x7d: {  	_ =	shalt  }
0x7e: {  	_ =	shalt  }
0x7f: {  	_ =	shalt  }
0x80: {  	_ =	shalt  }
0x81: {  	_ =	shalt  }
0x82: {  	_ =	shalt  }
0x83: {  	_ =	shalt  }
0x84: {  	_ =	shalt  }
0x85: {  	_ =	shalt  }
0x86: {  	_ =	shalt  }
0x87: {  	_ =	shalt  }
.Lfunc_end0:
.L_simem_size_0:
called_computation_lowered:
.L_overlay_start_0:
0x88: {  	s2 =	sld [smem:$0x3FD9]  }
0x89: {  	s3 =	sld [smem:$0x3FFE];
	_ =	sdelay $0x1  }
0x8a: {  	s1 =	srdreg.scid  }
0x8b: {  	s0 =	sand.u32 $0x1, s1  }
0x8c: {  	s17 =	sshll.u32 s0, $0xA;
	s2 =	sadd.s32 s3, s2  }
0x8d: {  	s2 =	sadd.s32 s2, s17  }
0x8e: {  	[smem:$0x3FC3] =	sst s2  }
0x8f: {  	_ = 	snop  }
0x90: {  	s2 =	sld [smem:$0x3FC8]  }
0x91: {  	s18 =	sld [smem:$0x3FC7];
	(tm) =	ssettm $0x1  }
0x92: {  	s4 =	sld [smem:$0x3FFB];
	_ =	sdelay $0x3  }
0x93: {  	_ =	strace s4  }
0x94: {  	s4 =	sld [smem:$0x3FFC];
	_ =	sdelay $0x3  }
0x95: {  	_ =	strace s4  }
0x96: {  	s4 =	sld [smem:$0x3FFD];
	_ =	sdelay $0x3  }
0x97: {  	_ =	strace s4  }
0x98: {  	_ =	strace $0x8FFFFFFF  }
0x99: {  	s19 =	sld [smem:$0x3FDB];
	_ =	sdelay $0x1  }
0x9a: {  	s5 =	simm.s32 $_scs_section_size  }
0x9b: {  	s6 =	simm.s32 $_size__tile_overlayer_lowered;
	s7 =	simm.s32 $_tile_overlayer_lowered  }
0x9c: {  	s22 =	simm.s32 $0x1BFF;
	s21 =	sshll.u32 s7, $0x1;
	s4 =	sadd.s32 s5, s19  }
0x9d: {  	s8 =	simm.s32 $0x0;
	s20 =	sshll.u32 s6, $0x1;
	s6 =	sadd.s32 s21, s4  }
0x9e: {  	[timem:s8], [sflag:s22] =	dma.local [hbm:s6], s20  }
0x9f: {  	_ =	swait.ge [sflag:s22], s20  }
0xa0: {  	s5 =	ssub.s32 $0x0, s20;
	[sflag:s22] =	ssyncset.done $0x0  }
0xa1: {  	[sflag:s22] =	ssyncadd.s32 s5;
	_ =	sdelay $0x1  }
0xa2: {  	s23 =	simm.s32 $0x1B8B  }
0xa3: {  	_ =	swait.ge [sflag:s23], $0x1  }
0xa4: {  	[sflag:s23] =	ssyncset.done $0x0  }
0xa5: {  	s25 =	simm.s32 $0x1B8E;
	s24 =	sld [smem:$0x3FFE];
	[sflag:s23] =	ssyncadd.s32 $0xFFFFFFFF  }
0xa6: {  	s26 =	simm.s32 $execute0_lowered;
	[smem:$0x3FD2] =	sst s25  }
0xa7: {  	s6 =	sshll.u32 s26, $0x1;
	_ =	strace $0x80000046;
	[dreg:$0x1] =	wrdreg $0xFFFFFFFF  }
0xa8: {  	s28 =	simm.s32 $_size_execute0_lowered;
	s4 =	sadd.s32 s4, s6;
	[dreg:$0x0] =	wrdreg $0x0  }
0xa9: {  	s6 =	sshll.u32 s28, $0x1;
	[dreg:$0x2] =	wrdreg s4  }
0xaa: {  	[dreg:$0x3] =	wrdreg s6  }
0xab: {  	[dreg:$0x4] =	wrdreg $0xC0  }
0xac: {  	_ =	task [dreg:s8], $0x5FFFF  }
0xad: {  	[dreg:$0x1] =	wrdreg $0xFFFFFFFF  }
0xae: {  	[dreg:$0x0] =	wrdreg $0x60  }
0xaf: {  	[dreg:$0x2] =	wrdreg s24  }
0xb0: {  	[dreg:$0x3] =	wrdreg s2  }
0xb1: {  	[dreg:$0x4] =	wrdreg s18  }
0xb2: {  	[dreg:$0x5] =	wrdreg $0x9  }
0xb3: {  	_ =	task.clear_ibuf [dreg:s8], $0x6FFFF;
	_ =	strace $0x90000046  }
0xb4: {  	s29 =	simm.s32 $0x9;
	_ =	strace $0x80000048  }
0xb5: {  	_ =	swait.ge [sflag:s29], $0x1  }
0xb6: {  	[sflag:s29] =	ssyncadd.s32 $0xFFFFFFFF  }
0xb7: {  	_ =	strace $0x90000048  }
0xb8: {  	_ =	sfence  }
0xb9: {  	s30 =	sld [smem:$0x0];
	_ =	sdelay $0x2  }
0xba: {  	s31 =	sshll.u32 s1, $0xD;
	s1 =	sshrl.u32 s1, $0x2  }
0xbb: {  	s3 =	sand.u32 $0x4000, s31;
	s1 =	sadd.s32 s1, s30  }
0xbc: {  	s0 =	sor.u32 s3, s0;
	s1 =	sshll.u32 s1, $0x11  }
0xbd: {  	s0 =	sor.u32 s1, s0  }
0xbe: {  	s0 =	sadd.s32 $0x8F2B, s0  }
0xbf: {  	[sflag:s0] =	ssyncadd.remote.s32 $0x1  }
0xc0: {  	_ =	sfence.sel $0xFFFF  }
0xc1: {  	[dreg:$0x0] =	wrdreg $0xFFFFFFFF;
	(pc) =	sbr.abs _section_cstart, $3  }
0xc2: {  	[dreg:$0x1] =	wrdreg $0xFFFFFFFF  }
0xc3: {  	_ =	task.clear_ibuf [dreg:s8], $0x2FFFF;
	_ =	strace $0x9FFFFFFF  }
0xc4: {  	(tm) =	ssettm $0x7FFFFFFF  }
0xc5: {  	_ =	shalt  }
tec
execute0_lowered:
.L_overlay_start_1:
0x0: {  	(tag) =	ssettag $0x1  }
0x1: {  	s1 =	srdreg.scid;
	s0 =	stileid.u32  }
0x2: {  	s8 =	sand.u32 $0x1, s1;
	s3 =	sshll.u32 s0, $0x1  }
0x3: {  	s3 =	sor.u32 s8, s3  }
0x4: {  	p0 =	sgt.u32 s3, $0x18  }
.Ltmp0:
0x5: {  	s7 =	rddreg [dreg:$0x0];
	(pc) =	sbr.rel @p0 .LBB2_4-.Ltmp0, $4  }
0x6: {  	s5 =	rddreg [dreg:$0x1]  }
0x7: {  	s4 =	rddreg [dreg:$0x2];
	s2 =	simm.s32 $0x0  }
0x8: {  	[smem:$0x7FF] =	sst s2  }
0x9: {  	s1 =	rddreg [dreg:$0x3];
	_ =	strace $0x80000047  }
0xa: {  	s9 =	smul.u32 $0x28, s3;
	_ =	sdelay $0x1  }
0xb: {  	s30 =	sadd.s32 $0x600, s7;
	s10 =	sshrl.u32 s9, $0x3  }
0xc: {  	s3 =	simm.s32 $0x2;
	s6 =	sadd.s32 s30, s10  }
0xd: {  	[tilespmem:s2], [sflag:$0x2] =	stream.linear.gather [hbm4b:s6+s2], $0x28, $0x38;
	[tilespmem:$0x200] =	vst v63  }
0xe: {  	_ =	swait.ge [sflag:s3], $0x28  }
0xf: {  	[sflag:s3] =	ssyncset.done $0x0  }
0x10: {  	[sflag:s3] =	ssyncadd.s32 $0xFFFFFFD8  }
0x11: {  	v0 =	vlaneseq.u32;
	v6 =	vld [tilespmem:$0x10]  }
0x12: {  	s8 =	ssub.s32 $0x2, s8;
	v1 =	vmul.u32 $0x8000, v0;
	v5 =	vld [tilespmem:$0x0]  }
0x13: {  	s13 =	sshrl.u32 s8, $0x1;
	v0 =	vmov s9;
	v7 =	vld [tilespmem:$0x20]  }
0x14: {  	s13 =	ssub.s32 s8, s13;
	v2 =	vshll.u32 v0, $0xF;
	v0 =	vor.u32 $0x80000, v1  }
0x15: {  	s11 =	sadd.s32 $0x800, s7;
	vm0 =	vmmov $0xff;
	s18 =	smax.u32 s13, $0x1;
	v0 =	vadd.s32 v0, v2  }
0x16: {  	s14 =	simm.s32 $0x60;
	s15 =	simm.s32 $0x80;
	v3 =	vor.u32 $0x100000, v1;
	v1 =	vadd.s32 v1, v2;
	p0 =	sne.s32 s18, $0x1;
	v8 =	vadd.s32 v0, v6  }
.Ltmp1:
0x17: {  	s16 =	simm.s32 $0x1;
	s17 =	simm.s32 $0x130;
	v2 =	vadd.s32 v3, v2;
	v3 =	vor.u32 $0x4000, v1;
	v9 =	vadd.s32 v1, v5;
	[tilespmem:$0x90] =	vst v8;
	(pc) =	sbr.rel @!p0 .LBB2_3-.Ltmp1, $4  }
0x18: {  	s31 =	sadd.s32 $0x3E8, s9;
	s12 =	sadd.s32 $0xBB8, s9;
	s7 =	sadd.s32 s11, s10;
	v4 =	vor.u32 $0x4000, v2;
	v5 =	vadd.s32 v3, v5;
	[tilespmem:$0x80] =	vst v9;
	v8 =	vadd.s32 v2, v7  }
0x19: {  	s10 =	sshrl.u32 s31, $0x3;
	s12 =	sshrl.u32 s12, $0x3;
	s13 =	simm.s32 $0x100;
	v7 =	vadd.s32 v4, v7;
	[tilespmem:$0xB0] =	vst v5;
	v8 =	vnsel vm0, $0x0, v8  }
0x1a: {  	s9 =	sadd.s32 s11, s10;
	s10 =	sadd.s32 $0xFA, s7;
	s8 =	sadd.s32 s11, s12;
	v5 =	vor.u32 $0x4000, v0;
	v7 =	vnsel vm0, $0x0, v7;
	[tilespmem:$0xA0] =	vst v8  }
0x1b: {  	s11 =	simm.s32 $0x180;
	s12 =	simm.s32 $0x1B0;
	s18 =	sadd.s32 $0xFFFFFFFF, s18;
	v6 =	vadd.s32 v5, v6;
	[tilespmem:$0xD0] =	vst v7  }
.LBB2_2:
0x1c: {  	p0 =	sne.s32 s18, $0x1;
	s18 =	sadd.s32 $0xFFFFFFFF, s18;
	[tilespmem:$0xC0] =	vst v6  }
0x1d: {  	[tilespmem:s13], [sflag:$0x1] =	stream.indirect.gather [hbm4b:s5+s14], $0x1, s15, s14, $0xb8;
	[tilespmem:$0x200] =	vst v63  }
0x1e: {  	_ =	swait.ge [sflag:s16], $0x60  }
0x1f: {  	[sflag:s16] =	ssyncset.done $0x0  }
0x20: {  	[sflag:s16] =	ssyncadd.s32 $0xFFFFFFA0  }
0x21: {  	[tilespmem:s11], [sflag:$0x1] =	stream.indirect.gather [hbm4b:s4+s14], $0x1, s15, s14, $0xb8;
	[tilespmem:$0x200] =	vst v63  }
0x22: {  	_ =	swait.ge [sflag:s16], $0x60  }
0x23: {  	[sflag:s16] =	ssyncset.done $0x0  }
0x24: {  	[sflag:s16] =	ssyncadd.s32 $0xFFFFFFA0  }
0x25: {  	[hbm4b:s7+s2] =	stream.linear.scatter [tilespmem:s13], [sflag:$0x2], $0x28, $0x38;
	[tilespmem:$0x200] =	vst v63  }
0x26: {  	_ =	swait.ge [sflag:s3], $0x28  }
0x27: {  	[sflag:s3] =	ssyncset.done $0x0  }
0x28: {  	[sflag:s3] =	ssyncadd.s32 $0xFFFFFFD8  }
0x29: {  	[hbm4b:s9+s2] =	stream.linear.scatter [tilespmem:s17], [sflag:$0x2], $0x28, $0x38;
	[tilespmem:$0x200] =	vst v63  }
0x2a: {  	_ =	swait.ge [sflag:s3], $0x28  }
0x2b: {  	[sflag:s3] =	ssyncset.done $0x0  }
0x2c: {  	[sflag:s3] =	ssyncadd.s32 $0xFFFFFFD8  }
0x2d: {  	[hbm4b:s10+s2] =	stream.linear.scatter [tilespmem:s11], [sflag:$0x2], $0x28, $0x38;
	[tilespmem:$0x200] =	vst v63  }
0x2e: {  	_ =	swait.ge [sflag:s3], $0x28  }
0x2f: {  	[sflag:s3] =	ssyncset.done $0x0  }
0x30: {  	[sflag:s3] =	ssyncadd.s32 $0xFFFFFFD8  }
0x31: {  	[hbm4b:s8+s2] =	stream.linear.scatter [tilespmem:s12], [sflag:$0x2], $0x28, $0x38;
	[tilespmem:$0x200] =	vst v63  }
0x32: {  	_ =	swait.ge [sflag:s3], $0x28  }
0x33: {  	[sflag:s3] =	ssyncset.done $0x0  }
0x34: {  	[sflag:s3] =	ssyncadd.s32 $0xFFFFFFD8  }
0x35: {  	[tilespmem:s2], [sflag:$0x2] =	stream.linear.gather [hbm4b:s6+s2], $0x28, $0x38;
	[tilespmem:$0x200] =	vst v63  }
0x36: {  	_ =	swait.ge [sflag:s3], $0x28  }
0x37: {  	[sflag:s3] =	ssyncset.done $0x0  }
0x38: {  	[sflag:s3] =	ssyncadd.s32 $0xFFFFFFD8  }
0x39: {  	v6 =	vld [tilespmem:$0x10]  }
0x3a: {  	v7 =	vld [tilespmem:$0x0]  }
0x3b: {  	v8 =	vld [tilespmem:$0x20];
	_ =	sdelay $0x2  }
0x3c: {  	v9 =	vadd.s32 v0, v6;
	v6 =	vadd.s32 v5, v6  }
.Ltmp2:
0x3d: {  	v10 =	vadd.s32 v1, v7;
	[tilespmem:$0x90] =	vst v9;
	(pc) =	sbr.rel @p0 .LBB2_2-.Ltmp2, $4  }
0x3e: {  	v7 =	vadd.s32 v3, v7;
	[tilespmem:$0x80] =	vst v10;
	v9 =	vadd.s32 v2, v8;
	v8 =	vadd.s32 v4, v8  }
0x3f: {  	[tilespmem:$0xB0] =	vst v7;
	v7 =	vnsel vm0, $0x0, v9;
	v8 =	vnsel vm0, $0x0, v8  }
0x40: {  	[tilespmem:$0xA0] =	vst v7  }
0x41: {  	[tilespmem:$0xD0] =	vst v8  }
.LBB2_3:
0x42: {  	[tilespmem:$0xC0] =	vst v6  }
0x43: {  	[tilespmem:s13], [sflag:$0x1] =	stream.indirect.gather [hbm4b:s5+s14], $0x1, s15, s14, $0xb8;
	[tilespmem:$0x200] =	vst v63  }
0x44: {  	_ =	swait.ge [sflag:s16], $0x60  }
0x45: {  	[sflag:s16] =	ssyncset.done $0x0  }
0x46: {  	[sflag:s16] =	ssyncadd.s32 $0xFFFFFFA0  }
0x47: {  	[tilespmem:s11], [sflag:$0x1] =	stream.indirect.gather [hbm4b:s4+s14], $0x1, s15, s14, $0xb8;
	[tilespmem:$0x200] =	vst v63  }
0x48: {  	_ =	swait.ge [sflag:s16], $0x60  }
0x49: {  	[sflag:s16] =	ssyncset.done $0x0  }
0x4a: {  	[sflag:s16] =	ssyncadd.s32 $0xFFFFFFA0  }
0x4b: {  	[hbm4b:s7+s2] =	stream.linear.scatter [tilespmem:s13], [sflag:$0x2], $0x28, $0x38;
	[tilespmem:$0x200] =	vst v63  }
0x4c: {  	_ =	swait.ge [sflag:s3], $0x28  }
0x4d: {  	[sflag:s3] =	ssyncset.done $0x0  }
0x4e: {  	[sflag:s3] =	ssyncadd.s32 $0xFFFFFFD8  }
0x4f: {  	[hbm4b:s9+s2] =	stream.linear.scatter [tilespmem:s17], [sflag:$0x2], $0x28, $0x38;
	[tilespmem:$0x200] =	vst v63  }
0x50: {  	_ =	swait.ge [sflag:s3], $0x28  }
0x51: {  	[sflag:s3] =	ssyncset.done $0x0  }
0x52: {  	[sflag:s3] =	ssyncadd.s32 $0xFFFFFFD8  }
0x53: {  	[hbm4b:s10+s2] =	stream.linear.scatter [tilespmem:s11], [sflag:$0x2], $0x28, $0x38;
	[tilespmem:$0x200] =	vst v63  }
0x54: {  	_ =	swait.ge [sflag:s3], $0x28  }
0x55: {  	[sflag:s3] =	ssyncset.done $0x0  }
0x56: {  	[sflag:s3] =	ssyncadd.s32 $0xFFFFFFD8  }
0x57: {  	[hbm4b:s8+s2] =	stream.linear.scatter [tilespmem:s12], [sflag:$0x2], $0x28, $0x38;
	[tilespmem:$0x200] =	vst v63  }
0x58: {  	_ =	swait.ge [sflag:s3], $0x28  }
0x59: {  	[sflag:s3] =	ssyncset.done $0x0  }
0x5a: {  	[sflag:s3] =	ssyncadd.s32 $0xFFFFFFD8  }
.LBB2_4:
0x5b: {  	_ =	sfence.sel $0x180000  }
0x5c: {  	[bflag:$0x0] =	sbarrier.arrive $0xFFFF  }
0x5d: {  	p0 =	sne.s32 s0, $0x0;
	_ =	strace $0x90000047  }
0x5e: {  	s0 =	sadd.s32 @!p0 $0x100000, s1;
	[bflag:$0x2] =	sbarrier.arrive $0xFFFF  }
0x5f: {  	[sflag:s0] =	ssyncadd.tile.s32 @!p0 $0x1;
	_ =	shalt  }
.Lfunc_end2:
_tile_overlayer_lowered:
.L_overlay_start_2:
0x60: {  	(tag) =	ssettag $0x2  }
0x61: {  	s0 =	rddreg [dreg:$0x0];
	s2 =	stileid.u32  }
0x62: {  	s1 =	rddreg [dreg:$0x1];
	p0 =	sne.s32 s2, $0x0  }
0x63: {  	s3 =	rddreg [dreg:$0x2];
	[bflag:$0x3] =	sbarrier.arrive $0xFFFF;
	s2 =	simm.s32 @!p0 $0x1C02  }
0x64: {  	[timem:s3], [sflag:s2] =	dma.local @!p0 [hbm:s0], s1  }
0x65: {  	s0 =	simm.s32 @!p0 $0x2  }
0x66: {  	_ =	swait.ge @!p0 [sflag:s0], s1  }
0x67: {  	s1 =	ssub.s32 @!p0 $0x0, s1;
	[sflag:s0] =	ssyncset.done @!p0 $0x0  }
0x68: {  	[sflag:s0] =	ssyncadd.s32 @!p0 s1  }
0x69: {  	[bflag:$0x3] =	sbarrier.arrive $0xFFFF  }
0x6a: {  	_ =	shalt  }

</sc_bundles>
